<compile_context>
chip_gen: v7x
topology: tpu7x:2x2x1
jax: 0.10.2.dev20260603
libtpu: 0.0.44.dev20260713+nightly
codegen_flags: <defaults>
</compile_context>

<pallas_src>
import functools

import jax
import jax.numpy as jnp
from jax import lax
from jax.experimental import pallas as pl
from jax.experimental.pallas import tpu as pltpu
from jax.experimental.pallas import tpu_sc as plsc

_LANES = 16
_DIM = 32

_mesh = plsc.VectorSubcoreMesh(
    core_axis_name="c", subcore_axis_name="s", num_cores=1, num_subcores=1
)


@functools.partial(
    pl.kernel,
    mesh=_mesh,
    compiler_params=pltpu.CompilerParams(
        needs_layout_passes=False,
        disable_bounds_checks=True,
        disable_semaphore_checks=True,
    ),
    out_type=jax.ShapeDtypeStruct((_LANES,), jnp.float32),
    scratch_types=[
        pltpu.VMEM((_LANES,), jnp.int32),
        pltpu.VMEM((_DIM, 128), jnp.float32),
        pltpu.VMEM((_DIM, 128), jnp.float32),
        pltpu.VMEM((_LANES,), jnp.float32),
        pltpu.SemaphoreType.DMA,
    ],
)
def _sc_dot(idx_hbm, ptabT_hbm, utabT_hbm, out_hbm, idx_v, pcol_v, ucol_v, out_v, sem):
    pltpu.sync_copy(idx_hbm, idx_v)
    iv = idx_v[...]
    pidx = iv[0]
    uidx = iv[1]
    pbase = pl.multiple_of((pidx // 128) * 128, 128)
    ubase = pl.multiple_of((uidx // 128) * 128, 128)
    cp_p = pltpu.async_copy(ptabT_hbm.at[:, pl.ds(pbase, 128)], pcol_v, sem)
    cp_u = pltpu.async_copy(utabT_hbm.at[:, pl.ds(ubase, 128)], ucol_v, sem)
    cp_p.wait()
    cp_u.wait()
    lane = lax.iota(jnp.int32, _LANES)
    pc = jnp.full((_LANES,), pidx % 128, jnp.int32)
    uc = jnp.full((_LANES,), uidx % 128, jnp.int32)
    a0 = plsc.load_gather(pcol_v, [lane, pc])
    a1 = plsc.load_gather(pcol_v, [lane + _LANES, pc])
    b0 = plsc.load_gather(ucol_v, [lane, uc])
    b1 = plsc.load_gather(ucol_v, [lane + _LANES, uc])
    acc = a0 * b0 + a1 * b1
    s = jnp.sum(acc)
    out_v[...] = jnp.full((_LANES,), s, jnp.float32)
    pltpu.sync_copy(out_v, out_hbm)


def kernel(product, user, product_embedding, user_embedding):
    p = jnp.asarray(product, jnp.int32)
    u = jnp.asarray(user, jnp.int32)
    idx = jnp.zeros((_LANES,), jnp.int32).at[0].set(p).at[1].set(u)
    out = _sc_dot(idx, product_embedding.T, user_embedding.T)
    return out[0]

# --- scband reference (transcript-rebuilt; emitter-appended) ---
"""Pipeline reference for scband-bandit-mfsquare-68023692034639 (READ-ONLY COPY).

The authoritative reference and input builder live on the scoring server;
editing this copy changes nothing except your own understanding.
"""

import jax, jax.numpy as jnp
import numpy as np

NUM_PRODUCTS = 1000000
EMBED_DIM = 32

def setup_inputs(seed: int = 0) -> dict:
    key = jax.random.key(seed)
    k1, k2 = jax.random.split(key)
    product_embedding = jax.random.normal(k1, (NUM_PRODUCTS, EMBED_DIM), dtype=jnp.float32)
    user_embedding = jax.random.normal(k2, (NUM_PRODUCTS, EMBED_DIM), dtype=jnp.float32)
    # forward takes scalar python ints (product id, user id). The original
    # module wraps them as Tensor([product]).long() internally.
    product = 12345
    user = 678
    return {
        "product": product,
        "user": user,
        "product_embedding": product_embedding,
        "user_embedding": user_embedding,
    }

def reference(product, user, product_embedding, user_embedding):
    # Faithful translation of BanditMFSquare.forward:
    #   product = Tensor([product]).long(); user = Tensor([user]).long()
    #   a = self.product_embedding(product).squeeze()
    #   b = self.user_embedding(user).squeeze()
    #   return torch.dot(a, b)
    p = jnp.asarray([product], dtype=jnp.int32)
    u = jnp.asarray([user], dtype=jnp.int32)
    a = jnp.take(product_embedding, p, axis=0).squeeze()
    b = jnp.take(user_embedding, u, axis=0).squeeze()
    return jnp.dot(a, b)

if __name__ == "__main__":
    import jax
    _d = setup_inputs()
    print(jax.jit(kernel)(*tuple(_d.values())))

</pallas_src>

<mosaic_0001>
#map = affine_map<(d0, d1) -> (0)>
#map1 = affine_map<(d0, d1) -> (0, 0)>
module attributes {stable_mosaic.version = 14 : i64} {
  func.func @_sc_dot(%arg0: i32, %arg1: i32, %arg2: memref<16xi32, #tpu.memory_space<hbm>>, %arg3: memref<32x1000000xf32, #tpu.memory_space<hbm>>, %arg4: memref<32x1000000xf32, #tpu.memory_space<hbm>>, %arg5: memref<16xf32, #tpu.memory_space<hbm>>, %arg6: memref<16xi32, #tpu.memory_space<vmem>>, %arg7: memref<32x128xf32, #tpu.memory_space<vmem>>, %arg8: memref<32x128xf32, #tpu.memory_space<vmem>>, %arg9: memref<16xf32, #tpu.memory_space<vmem>>, %arg10: memref<!tpu.dma_semaphore, #tpu.memory_space<semaphore_mem>>) attributes {dimension_semantics = [#tpu.dimension_semantics<core_parallel>, #tpu.dimension_semantics<subcore_parallel>], iteration_bounds = array<i64: 1, 1>, scalar_prefetch = 0 : i64, scratch_operands = 5 : i64, tpu.core_type = #tpu.core_type<sc_vector_subcore>, window_params = [{transform_indices = #map}, {transform_indices = #map1}, {transform_indices = #map1}, {transform_indices = #map}]} {
    "tpu.region"() ({
      %run_scoped3A = tpu.sem_alloc : memref<!tpu.dma_semaphore, #tpu.memory_space<semaphore_mem>>
      tpu.enqueue_dma source(%arg2 : memref<16xi32, #tpu.memory_space<hbm>>) target(%arg6 : memref<16xi32, #tpu.memory_space<vmem>>) target_semaphore(%run_scoped3A : memref<!tpu.dma_semaphore, #tpu.memory_space<semaphore_mem>>)
      tpu.wait_dma2 semaphore(%run_scoped3A : memref<!tpu.dma_semaphore, #tpu.memory_space<semaphore_mem>>) src(%arg2 : memref<16xi32, #tpu.memory_space<hbm>>) dst(%arg6 : memref<16xi32, #tpu.memory_space<vmem>>)
      tpu.yield
    }) : () -> ()
    %get3A = arith.constant 0 : index
    %get3A_0 = tpu.vector_load %arg6[%get3A] {strides = array<i32>} : memref<16xi32, #tpu.memory_space<vmem>>, vector<16xi32>,
    %slice3A = vector.extract_strided_slice %get3A_0 {offsets = [0], sizes = [1], strides = [1]} : vector<16xi32> to vector<1xi32>
    %squeeze3A = vector.extract %slice3A[0] : i32 from vector<1xi32>
    %slice3A_1 = vector.extract_strided_slice %get3A_0 {offsets = [1], sizes = [1], strides = [1]} : vector<16xi32> to vector<1xi32>
    %squeeze3A_2 = vector.extract %slice3A_1[0] : i32 from vector<1xi32>
    %jit3A = arith.constant 128 : i32
    %div3A = arith.divsi %squeeze3A, %jit3A : i32
    %sign3A = arith.constant 0 : i32
    %sign3A_3 = arith.cmpi sgt, %squeeze3A, %sign3A : i32
    %sign3A_4 = arith.extui %sign3A_3 : i1 to i32
    %sign3A_5 = arith.constant 0 : i32
    %sign3A_6 = arith.cmpi slt, %squeeze3A, %sign3A_5 : i32
    %sign3A_7 = arith.extui %sign3A_6 : i1 to i32
    %sign3A_8 = arith.subi %sign3A_4, %sign3A_7 : i32
    %sign3A_9 = arith.constant 0 : i32
    %sign3A_10 = arith.cmpi sgt, %jit3A, %sign3A_9 : i32
    %sign3A_11 = arith.extui %sign3A_10 : i1 to i32
    %sign3A_12 = arith.constant 0 : i32
    %sign3A_13 = arith.cmpi slt, %jit3A, %sign3A_12 : i32
    %sign3A_14 = arith.extui %sign3A_13 : i1 to i32
    %sign3A_15 = arith.subi %sign3A_11, %sign3A_14 : i32
    %ne3A = arith.cmpi ne, %sign3A_8, %sign3A_15 : i32
    %rem3A = arith.remsi %squeeze3A, %jit3A : i32
    %ne3A_16 = arith.constant 0 : i32
    %ne3A_17 = arith.cmpi ne, %rem3A, %ne3A_16 : i32
    %and3A = arith.andi %ne3A, %ne3A_17 : i1
    %sub3A = arith.constant 1 : i32
    %sub3A_18 = arith.subi %div3A, %sub3A : i32
    %select_n3A = arith.select %and3A, %sub3A_18, %div3A : i32
    %mul3A = arith.constant 128 : i32
    %mul3A_19 = arith.muli %select_n3A, %mul3A : i32
    %multiple_of3A = tpu.assume_multiple %mul3A_19, 128 : i32
    %jit3A_20 = arith.constant 128 : i32
    %div3A_21 = arith.divsi %squeeze3A_2, %jit3A_20 : i32
    %sign3A_22 = arith.constant 0 : i32
    %sign3A_23 = arith.cmpi sgt, %squeeze3A_2, %sign3A_22 : i32
    %sign3A_24 = arith.extui %sign3A_23 : i1 to i32
    %sign3A_25 = arith.constant 0 : i32
    %sign3A_26 = arith.cmpi slt, %squeeze3A_2, %sign3A_25 : i32
    %sign3A_27 = arith.extui %sign3A_26 : i1 to i32
    %sign3A_28 = arith.subi %sign3A_24, %sign3A_27 : i32
    %sign3A_29 = arith.constant 0 : i32
    %sign3A_30 = arith.cmpi sgt, %jit3A_20, %sign3A_29 : i32
    %sign3A_31 = arith.extui %sign3A_30 : i1 to i32
    %sign3A_32 = arith.constant 0 : i32
    %sign3A_33 = arith.cmpi slt, %jit3A_20, %sign3A_32 : i32
    %sign3A_34 = arith.extui %sign3A_33 : i1 to i32
    %sign3A_35 = arith.subi %sign3A_31, %sign3A_34 : i32
    %ne3A_36 = arith.cmpi ne, %sign3A_28, %sign3A_35 : i32
    %rem3A_37 = arith.remsi %squeeze3A_2, %jit3A_20 : i32
    %ne3A_38 = arith.constant 0 : i32
    %ne3A_39 = arith.cmpi ne, %rem3A_37, %ne3A_38 : i32
    %and3A_40 = arith.andi %ne3A_36, %ne3A_39 : i1
    %sub3A_41 = arith.constant 1 : i32
    %sub3A_42 = arith.subi %div3A_21, %sub3A_41 : i32
    %select_n3A_43 = arith.select %and3A_40, %sub3A_42, %div3A_21 : i32
    %mul3A_44 = arith.constant 128 : i32
    %mul3A_45 = arith.muli %select_n3A_43, %mul3A_44 : i32
    %multiple_of3A_46 = tpu.assume_multiple %mul3A_45, 128 : i32
    %dma_start3A = arith.constant 0 : i32
    %dma_start3A_47 = tpu.memref_slice %arg3[%dma_start3A, %multiple_of3A] : memref<32x1000000xf32, #tpu.memory_space<hbm>> -> memref<32x128xf32, #tpu.memory_space<hbm>>
    %dma_start3A_48 = arith.constant 0 : i32
    %dma_start3A_49 = tpu.memref_slice %arg3[%dma_start3A_48, %multiple_of3A] : memref<32x1000000xf32, #tpu.memory_space<hbm>> -> memref<32x128xf32, #tpu.memory_space<hbm>>
    tpu.enqueue_dma source(%dma_start3A_49 : memref<32x128xf32, #tpu.memory_space<hbm>>) target(%arg7 : memref<32x128xf32, #tpu.memory_space<vmem>>) target_semaphore(%arg10 : memref<!tpu.dma_semaphore, #tpu.memory_space<semaphore_mem>>)
    %dma_start3A_50 = arith.constant 0 : i32
    %dma_start3A_51 = tpu.memref_slice %arg4[%dma_start3A_50, %multiple_of3A_46] : memref<32x1000000xf32, #tpu.memory_space<hbm>> -> memref<32x128xf32, #tpu.memory_space<hbm>>
    %dma_start3A_52 = arith.constant 0 : i32
    %dma_start3A_53 = tpu.memref_slice %arg4[%dma_start3A_52, %multiple_of3A_46] : memref<32x1000000xf32, #tpu.memory_space<hbm>> -> memref<32x128xf32, #tpu.memory_space<hbm>>
    tpu.enqueue_dma source(%dma_start3A_53 : memref<32x128xf32, #tpu.memory_space<hbm>>) target(%arg8 : memref<32x128xf32, #tpu.memory_space<vmem>>) target_semaphore(%arg10 : memref<!tpu.dma_semaphore, #tpu.memory_space<semaphore_mem>>)
    %dma_wait3A = arith.constant 0 : i32
    %dma_wait3A_54 = tpu.memref_slice %arg3[%dma_wait3A, %multiple_of3A] : memref<32x1000000xf32, #tpu.memory_space<hbm>> -> memref<32x128xf32, #tpu.memory_space<hbm>>
    %dma_wait3A_55 = arith.constant 0 : i32
    %dma_wait3A_56 = tpu.memref_slice %arg3[%dma_wait3A_55, %multiple_of3A] : memref<32x1000000xf32, #tpu.memory_space<hbm>> -> memref<32x128xf32, #tpu.memory_space<hbm>>
    tpu.wait_dma2 semaphore(%arg10 : memref<!tpu.dma_semaphore, #tpu.memory_space<semaphore_mem>>) src(%dma_wait3A_56 : memref<32x128xf32, #tpu.memory_space<hbm>>) dst(%arg7 : memref<32x128xf32, #tpu.memory_space<vmem>>)
    %dma_wait3A_57 = arith.constant 0 : i32
    %dma_wait3A_58 = tpu.memref_slice %arg4[%dma_wait3A_57, %multiple_of3A_46] : memref<32x1000000xf32, #tpu.memory_space<hbm>> -> memref<32x128xf32, #tpu.memory_space<hbm>>
    %dma_wait3A_59 = arith.constant 0 : i32
    %dma_wait3A_60 = tpu.memref_slice %arg4[%dma_wait3A_59, %multiple_of3A_46] : memref<32x1000000xf32, #tpu.memory_space<hbm>> -> memref<32x128xf32, #tpu.memory_space<hbm>>
    tpu.wait_dma2 semaphore(%arg10 : memref<!tpu.dma_semaphore, #tpu.memory_space<semaphore_mem>>) src(%dma_wait3A_60 : memref<32x128xf32, #tpu.memory_space<hbm>>) dst(%arg8 : memref<32x128xf32, #tpu.memory_space<vmem>>)
    %iota3A = tpu.iota {dimensions = array<i32: 0>} : vector<16xi32>
    %jit3A_61 = arith.constant 128 : i32
    %eq3A = arith.constant 0 : i32
    %eq3A_62 = arith.cmpi eq, %jit3A_61, %eq3A : i32
    %jit3A_63 = arith.constant 1 : i32
    %select_n3A_64 = arith.select %eq3A_62, %jit3A_63, %jit3A_61 : i32
    %rem3A_65 = arith.remsi %squeeze3A, %select_n3A_64 : i32
    %ne3A_66 = arith.constant 0 : i32
    %ne3A_67 = arith.cmpi ne, %rem3A_65, %ne3A_66 : i32
    %lt3A = arith.constant 0 : i32
    %lt3A_68 = arith.cmpi slt, %rem3A_65, %lt3A : i32
    %lt3A_69 = arith.constant 0 : i32
    %lt3A_70 = arith.cmpi slt, %select_n3A_64, %lt3A_69 : i32
    %ne3A_71 = arith.xori %lt3A_68, %lt3A_70 : i1
    %and3A_72 = arith.andi %ne3A_71, %ne3A_67 : i1
    %add3A = arith.addi %rem3A_65, %select_n3A_64 : i32
    %select_n3A_73 = arith.select %and3A_72, %add3A, %rem3A_65 : i32
    %broadcast_in_dim3A = vector.broadcast %select_n3A_73 : i32 to vector<16xi32>
    %jit3A_74 = arith.constant 128 : i32
    %eq3A_75 = arith.constant 0 : i32
    %eq3A_76 = arith.cmpi eq, %jit3A_74, %eq3A_75 : i32
    %jit3A_77 = arith.constant 1 : i32
    %select_n3A_78 = arith.select %eq3A_76, %jit3A_77, %jit3A_74 : i32
    %rem3A_79 = arith.remsi %squeeze3A_2, %select_n3A_78 : i32
    %ne3A_80 = arith.constant 0 : i32
    %ne3A_81 = arith.cmpi ne, %rem3A_79, %ne3A_80 : i32
    %lt3A_82 = arith.constant 0 : i32
    %lt3A_83 = arith.cmpi slt, %rem3A_79, %lt3A_82 : i32
    %lt3A_84 = arith.constant 0 : i32
    %lt3A_85 = arith.cmpi slt, %select_n3A_78, %lt3A_84 : i32
    %ne3A_86 = arith.xori %lt3A_83, %lt3A_85 : i1
    %and3A_87 = arith.andi %ne3A_86, %ne3A_81 : i1
    %add3A_88 = arith.addi %rem3A_79, %select_n3A_78 : i32
    %select_n3A_89 = arith.select %and3A_87, %add3A_88, %rem3A_79 : i32
    %broadcast_in_dim3A_90 = vector.broadcast %select_n3A_89 : i32 to vector<16xi32>
    %gather3A = tpu.vector_load_idx %arg7[%iota3A, %broadcast_in_dim3A] : memref<32x128xf32, #tpu.memory_space<vmem>>[vector<16xi32>, vector<16xi32>], vector<16xf32>,
    %add3A_91 = arith.constant 16 : i32
    %add3A_92 = vector.broadcast %add3A_91 : i32 to vector<16xi32>
    %add3A_93 = arith.addi %iota3A, %add3A_92 : vector<16xi32>
    %gather3A_94 = tpu.vector_load_idx %arg7[%add3A_93, %broadcast_in_dim3A] : memref<32x128xf32, #tpu.memory_space<vmem>>[vector<16xi32>, vector<16xi32>], vector<16xf32>,
    %gather3A_95 = tpu.vector_load_idx %arg8[%iota3A, %broadcast_in_dim3A_90] : memref<32x128xf32, #tpu.memory_space<vmem>>[vector<16xi32>, vector<16xi32>], vector<16xf32>,
    %add3A_96 = arith.constant 16 : i32
    %add3A_97 = vector.broadcast %add3A_96 : i32 to vector<16xi32>
    %add3A_98 = arith.addi %iota3A, %add3A_97 : vector<16xi32>
    %gather3A_99 = tpu.vector_load_idx %arg8[%add3A_98, %broadcast_in_dim3A_90] : memref<32x128xf32, #tpu.memory_space<vmem>>[vector<16xi32>, vector<16xi32>], vector<16xf32>,
    %mul3A_100 = arith.mulf %gather3A, %gather3A_95 : vector<16xf32>
    %mul3A_101 = arith.mulf %gather3A_94, %gather3A_99 : vector<16xf32>
    %add3A_102 = arith.addf %mul3A_100, %mul3A_101 : vector<16xf32>
    %reduce_sum3A = arith.constant true
    %reduce_sum3A_103 = vector.broadcast %reduce_sum3A : i1 to vector<16xi1>
    %reduce_sum3A_104 = tpu.scan <sum>, %add3A_102 masked %reduce_sum3A_103 : vector<16xf32>, vector<16xi1> -> vector<16xf32>
    %reduce_sum3A_105 = vector.extract %reduce_sum3A_104[15] : f32 from vector<16xf32>
    %broadcast_in_dim3A_106 = vector.broadcast %reduce_sum3A_105 : f32 to vector<16xf32>
    %swap3A = arith.constant 0 : index
    %swap3A_107 = tpu.vector_load %arg9[%swap3A] {strides = array<i32>} : memref<16xf32, #tpu.memory_space<vmem>>, vector<16xf32>,
    tpu.vector_store %arg9[%swap3A], %broadcast_in_dim3A_106 {strides = array<i32>} : memref<16xf32, #tpu.memory_space<vmem>>, vector<16xf32>,
    "tpu.region"() ({
      %run_scoped3A = tpu.sem_alloc : memref<!tpu.dma_semaphore, #tpu.memory_space<semaphore_mem>>
      tpu.enqueue_dma source(%arg9 : memref<16xf32, #tpu.memory_space<vmem>>) target(%arg5 : memref<16xf32, #tpu.memory_space<hbm>>) target_semaphore(%run_scoped3A : memref<!tpu.dma_semaphore, #tpu.memory_space<semaphore_mem>>)
      tpu.wait_dma2 semaphore(%run_scoped3A : memref<!tpu.dma_semaphore, #tpu.memory_space<semaphore_mem>>) src(%arg9 : memref<16xf32, #tpu.memory_space<vmem>>) dst(%arg5 : memref<16xf32, #tpu.memory_space<hbm>>)
      tpu.yield
    }) : () -> ()
    return
  }
}

</mosaic_0001>

<sc_bundles>
// kernel: kernel.3.cloned.1.call-start
scs
__scs_entry_jumppad:
0x0: {  	(pc) =	sbr.rel $0x88, $3  }
0x1: {  	(tag) =	ssettag $0x0;
	lr =	simm.s32 $0x1  }
0x2: {  	[smem:$0x3F9D] =	sst lr;
	_ =	strace $0xD0000000  }
0x3: {  	_ = 	snop  }
0x4: {  	_ = 	snop  }
0x5: {  	_ = 	snop  }
0x6: {  	_ = 	snop  }
0x7: {  	_ = 	snop  }
__scs_overlays_trampoline_lowered:
0x8: {  	[smem:$0x3FAC] =	sst s0  }
0x9: {  	[smem:$0x3FAD] =	sst s1  }
0xa: {  	[smem:$0x3FAE] =	sst s2  }
0xb: {  	[smem:$0x3FAF] =	sst s3  }
0xc: {  	[smem:$0x3FB0] =	sst s4  }
0xd: {  	[smem:$0x3FB1] =	sst s5  }
0xe: {  	[smem:$0x3FB2] =	sst s6  }
0xf: {  	[smem:$0x3FB3] =	sst s7  }
0x10: {  	[smem:$0x3FB4] =	sst s8  }
0x11: {  	[smem:$0x3FB5] =	sst s9;
	s0 =	simm.s32 @!p0 $0x0  }
0x12: {  	s1 =	sld [smem:$0x3F9B];
	s0 =	simm.s32 @p0 $0x1  }
0x13: {  	[smem:$0x3FB6] =	sst s0;
	s0 =	simm.s32 @!p1 $0x0  }
0x14: {  	s2 =	sld [smem:$0x3F9A];
	s0 =	simm.s32 @p1 $0x1  }
0x15: {  	[smem:$0x3FB7] =	sst s0;
	s0 =	simm.s32 @!p2 $0x0  }
0x16: {  	s3 =	sld [smem:$0x3FDB];
	s0 =	simm.s32 @p2 $0x1  }
0x17: {  	s4 =	simm.s32 $0x1BF5;
	[smem:$0x3FB9] =	sst s0  }
0x18: {  	s0 =	sld [smem:$0x3F9C];
	_ =	swait.ge [sflag:s4], $0x0  }
0x19: {  	s7 =	sld [smem:$0x3F9D]  }
0x1a: {  	s8 =	sadd.s32 $0xFFFFE003, lr  }
0x1b: {  	s9 =	sadd.s32 $0xFFFFFEF7, lr;
	s5 =	simm.s32 $0xFFFFFFFF;
	p2 =	slt.u32 s8, $0xFFFFF086  }
0x1c: {  	p1 =	slt.u32 s9, $0xF7A;
	s5 =	simm.s32 @!p2 $0x0  }
0x1d: {  	s5 =	simm.s32 @p1 $0x1;
	p0 =	seq.s32 s7, s2  }
0x1e: {  	s7 =	smul.u32 @!p0 $0xF7A, s2;
	p2 =	seq.s32 @!p0 s5, $0x0  }
0x1f: {  	s9 =	smul.u32 $0xF7A, s1;
	s8 =	simm.s32 @!p0 $0x1BF5;
	p2 =	por !p2, p0  }
0x20: {  	[sflag:s8] =	ssyncset.s32 @!p0 $0xFFFFF086;
	s6 =	sadd.s32 @!p0 s3, s7;
	s7 =	simm.s32 @!p0 $0x108  }
0x21: {  	s3 =	sadd.s32 s3, s9;
	s6 =	sadd.s32 @!p0 $0x88, s6;
	s7 =	simm.s32 @p2 $0x1082  }
0x22: {  	[simem:s7], [sflag:s8] =	dma.local @!p0 [hbm:s6], $0xF7A  }
0x23: {  	s9 =	sor.u32 $0xD0000000, s2;
	s6 =	simm.s32 $0x108;
	_ =	swait.ge @!p0 [sflag:s8], $0x0  }
0x24: {  	s3 =	sadd.s32 $0x88, s3;
	s6 =	simm.s32 @!p1 $0x1082;
	[sflag:s4] =	ssyncset.s32 $0xFFFFF086  }
0x25: {  	[simem:s6], [sflag:s4] =	dma.local [hbm:s3], $0xF7A  }
0x26: {  	[smem:$0x3F9D] =	sst s1;
	(tag) =	ssettag s2;
	_ =	strace s9  }
0x27: {  	s1 =	sld [smem:$0x3FAD]  }
0x28: {  	s2 =	sld [smem:$0x3FAE]  }
0x29: {  	s4 =	sld [smem:$0x3FB0]  }
0x2a: {  	p0 =	seq.s32 s5, $0x0;
	s5 =	sld [smem:$0x3FB1]  }
0x2b: {  	s6 =	sld [smem:$0x3FB2]  }
0x2c: {  	s7 =	sld [smem:$0x3FB3]  }
0x2d: {  	s3 =	simm.s32 $0x108;
	s8 =	sld [smem:$0x3FB4]  }
0x2e: {  	s3 =	simm.s32 @!p0 $0x1082;
	s9 =	sld [smem:$0x3FB5]  }
0x2f: {  	lr =	sadd.s32 s0, s3;
	s0 =	sld [smem:$0x3FAC]  }
0x30: {  	s3 =	sld [smem:$0x3FAF]  }
0x31: {  	[smem:$0x3FB8] =	sst s10  }
0x32: {  	s10 =	sld [smem:$0x3FB6];
	_ =	sdelay $0x3  }
0x33: {  	p0 =	seq.s32 s10, $0x1;
	s10 =	sld [smem:$0x3FB8];
	_ =	sdelay $0x3  }
0x34: {  	[smem:$0x3FB8] =	sst s10  }
0x35: {  	s10 =	sld [smem:$0x3FB7];
	_ =	sdelay $0x3  }
0x36: {  	p1 =	seq.s32 s10, $0x1;
	s10 =	sld [smem:$0x3FB8];
	_ =	sdelay $0x3  }
0x37: {  	[smem:$0x3FB8] =	sst s10  }
0x38: {  	s10 =	sld [smem:$0x3FB9]  }
0x39: {  	_ = 	snop;
	(pc) =	sbr.ind lr, $3  }
0x3a: {  	_ = 	snop  }
0x3b: {  	_ = 	snop  }
0x3c: {  	p2 =	seq.s32 s10, $0x1;
	s10 =	sld [smem:$0x3FB8]  }
0x3d: {  	_ =	shalt  }
0x3e: {  	_ =	shalt  }
0x3f: {  	_ =	shalt  }
0x40: {  	_ =	shalt  }
0x41: {  	_ =	shalt  }
0x42: {  	_ =	shalt  }
0x43: {  	_ =	shalt  }
0x44: {  	_ =	shalt  }
0x45: {  	_ =	shalt  }
0x46: {  	_ =	shalt  }
0x47: {  	_ =	shalt  }
0x48: {  	_ =	shalt  }
0x49: {  	_ =	shalt  }
0x4a: {  	_ =	shalt  }
0x4b: {  	_ =	shalt  }
0x4c: {  	_ =	shalt  }
0x4d: {  	_ =	shalt  }
0x4e: {  	_ =	shalt  }
0x4f: {  	_ =	shalt  }
0x50: {  	_ =	shalt  }
0x51: {  	_ =	shalt  }
0x52: {  	_ =	shalt  }
0x53: {  	_ =	shalt  }
0x54: {  	_ =	shalt  }
0x55: {  	_ =	shalt  }
0x56: {  	_ =	shalt  }
0x57: {  	_ =	shalt  }
0x58: {  	_ =	shalt  }
0x59: {  	_ =	shalt  }
0x5a: {  	_ =	shalt  }
0x5b: {  	_ =	shalt  }
0x5c: {  	_ =	shalt  }
0x5d: {  	_ =	shalt  }
0x5e: {  	_ =	shalt  }
0x5f: {  	_ =	shalt  }
0x60: {  	_ =	shalt  }
0x61: {  	_ =	shalt  }
0x62: {  	_ =	shalt  }
0x63: {  	_ =	shalt  }
0x64: {  	_ =	shalt  }
0x65: {  	_ =	shalt  }
0x66: {  	_ =	shalt  }
0x67: {  	_ =	shalt  }
0x68: {  	_ =	shalt  }
0x69: {  	_ =	shalt  }
0x6a: {  	_ =	shalt  }
0x6b: {  	_ =	shalt  }
0x6c: {  	_ =	shalt  }
0x6d: {  	_ =	shalt  }
0x6e: {  	_ =	shalt  }
0x6f: {  	_ =	shalt  }
0x70: {  	_ =	shalt  }
0x71: {  	_ =	shalt  }
0x72: {  	_ =	shalt  }
0x73: {  	_ =	shalt  }
0x74: {  	_ =	shalt  }
0x75: {  	_ =	shalt  }
0x76: {  	_ =	shalt  }
0x77: {  	_ =	shalt  }
0x78: {  	_ =	shalt  }
0x79: {  	_ =	shalt  }
0x7a: {  	_ =	shalt  }
0x7b: {  	_ =	shalt  }
0x7c: {  	_ =	shalt  }
0x7d: {  	_ =	shalt  }
0x7e: {  	_ =	shalt  }
0x7f: {  	_ =	shalt  }
0x80: {  	_ =	shalt  }
0x81: {  	_ =	shalt  }
0x82: {  	_ =	shalt  }
0x83: {  	_ =	shalt  }
0x84: {  	_ =	shalt  }
0x85: {  	_ =	shalt  }
0x86: {  	_ =	shalt  }
0x87: {  	_ =	shalt  }
.Lfunc_end0:
.L_simem_size_0:
called_computation_lowered:
.L_overlay_start_0:
0x88: {  	s0 =	sld [smem:$0x3FD9]  }
0x89: {  	s1 =	sld [smem:$0x3FFE];
	_ =	sdelay $0x3  }
0x8a: {  	s0 =	sadd.s32 s1, s0  }
0x8b: {  	[smem:$0x3FC4] =	sst s0  }
0x8c: {  	_ = 	snop  }
0x8d: {  	s0 =	sld [smem:$0x3FC7]  }
0x8e: {  	s16 =	sld [smem:$0x3FC6]  }
0x8f: {  	s2 =	sld [smem:$0x3FD0];
	(tm) =	ssettm $0x1  }
0x90: {  	s3 =	sld [smem:$0x3FFB];
	_ =	sdelay $0x3  }
0x91: {  	_ =	strace s3  }
0x92: {  	s3 =	sld [smem:$0x3FFC];
	_ =	sdelay $0x3  }
0x93: {  	_ =	strace s3  }
0x94: {  	s3 =	sld [smem:$0x3FFD];
	_ =	sdelay $0x3  }
0x95: {  	_ =	strace s3  }
0x96: {  	_ =	strace $0x8FFFFFFF  }
0x97: {  	s17 =	sld [smem:$0x3FDB];
	_ =	sdelay $0x1  }
0x98: {  	s4 =	simm.s32 $_scs_section_size  }
0x99: {  	s5 =	simm.s32 $_size__tile_overlayer_lowered;
	s6 =	simm.s32 $_tile_overlayer_lowered  }
0x9a: {  	s20 =	simm.s32 $0x1BFF;
	s19 =	sshll.u32 s6, $0x1;
	s3 =	sadd.s32 s4, s17  }
0x9b: {  	s7 =	simm.s32 $0x0;
	s18 =	sshll.u32 s5, $0x1;
	s5 =	sadd.s32 s19, s3  }
0x9c: {  	[timem:s7], [sflag:s20] =	dma.local [hbm:s5], s18  }
0x9d: {  	_ =	swait.ge [sflag:s20], s18  }
0x9e: {  	s4 =	ssub.s32 $0x0, s18;
	[sflag:s20] =	ssyncset.done $0x0  }
0x9f: {  	[sflag:s20] =	ssyncadd.s32 s4;
	_ =	sdelay $0x1  }
0xa0: {  	s21 =	simm.s32 $0x1B8B  }
0xa1: {  	_ =	swait.ge [sflag:s21], $0x1  }
0xa2: {  	[sflag:s21] =	ssyncset.done $0x0  }
0xa3: {  	s23 =	simm.s32 $0x1B8E;
	s22 =	sld [smem:$0x3FFE];
	[sflag:s21] =	ssyncadd.s32 $0xFFFFFFFF  }
0xa4: {  	s24 =	simm.s32 $execute0_lowered;
	[smem:$0x3FD2] =	sst s23  }
0xa5: {  	s5 =	sshll.u32 s24, $0x1;
	_ =	strace $0x80000046;
	[dreg:$0x1] =	wrdreg $0xFFFFFFFF  }
0xa6: {  	s25 =	simm.s32 $_size_execute0_lowered;
	s3 =	sadd.s32 s3, s5;
	[dreg:$0x0] =	wrdreg $0x0  }
0xa7: {  	s5 =	sshll.u32 s25, $0x1;
	[dreg:$0x2] =	wrdreg s3  }
0xa8: {  	[dreg:$0x3] =	wrdreg s5  }
0xa9: {  	[dreg:$0x4] =	wrdreg $0xC0  }
0xaa: {  	_ =	task [dreg:s7], $0x5FFFF  }
0xab: {  	[dreg:$0x1] =	wrdreg $0xFFFFFFFF  }
0xac: {  	[dreg:$0x0] =	wrdreg $0x60  }
0xad: {  	[dreg:$0x2] =	wrdreg s22  }
0xae: {  	[dreg:$0x3] =	wrdreg s0  }
0xaf: {  	[dreg:$0x4] =	wrdreg s16  }
0xb0: {  	[dreg:$0x5] =	wrdreg s2  }
0xb1: {  	[dreg:$0x6] =	wrdreg $0x9  }
0xb2: {  	_ =	task.clear_ibuf [dreg:s7], $0x7FFFF;
	_ =	strace $0x90000046  }
0xb3: {  	s26 =	simm.s32 $0x9;
	_ =	strace $0x80000048  }
0xb4: {  	_ =	swait.ge [sflag:s26], $0x1  }
0xb5: {  	[sflag:s26] =	ssyncadd.s32 $0xFFFFFFFF  }
0xb6: {  	_ =	strace $0x90000048  }
0xb7: {  	_ =	sfence  }
0xb8: {  	s28 =	sld [smem:$0x0];
	_ =	sdelay $0x1  }
0xb9: {  	s29 =	srdreg.scid  }
0xba: {  	s30 =	sshll.u32 s29, $0xD;
	s31 =	sshrl.u32 s29, $0x2  }
0xbb: {  	s1 =	sand.u32 $0x1, s29;
	s2 =	sand.u32 $0x4000, s30;
	s0 =	sadd.s32 s31, s28  }
0xbc: {  	s1 =	sor.u32 s2, s1;
	s0 =	sshll.u32 s0, $0x11  }
0xbd: {  	s0 =	sor.u32 s0, s1  }
0xbe: {  	s0 =	sadd.s32 $0x8F2B, s0  }
0xbf: {  	[sflag:s0] =	ssyncadd.remote.s32 $0x1  }
0xc0: {  	_ =	sfence.sel $0xFFFF  }
0xc1: {  	[dreg:$0x0] =	wrdreg $0xFFFFFFFF;
	(pc) =	sbr.abs _section_cstart, $3  }
0xc2: {  	[dreg:$0x1] =	wrdreg $0xFFFFFFFF  }
0xc3: {  	_ =	task.clear_ibuf [dreg:s7], $0x2FFFF;
	_ =	strace $0x9FFFFFFF  }
0xc4: {  	(tm) =	ssettm $0x7FFFFFFF  }
0xc5: {  	_ =	shalt  }
tec
execute0_lowered:
.L_overlay_start_1:
0x0: {  	(tag) =	ssettag $0x1  }
0x1: {  	s6 =	stileid.u32  }
0x2: {  	s3 =	rddreg [dreg:$0x0];
	p0 =	sne.s32 s6, $0x0  }
.Ltmp0:
0x3: {  	s5 =	rddreg [dreg:$0x1];
	(pc) =	sbr.rel @p0 .LBB2_2-.Ltmp0, $4  }
0x4: {  	s4 =	rddreg [dreg:$0x2]  }
0x5: {  	s1 =	rddreg [dreg:$0x3];
	s2 =	simm.s32 $0x0  }
0x6: {  	[smem:$0x7FF] =	sst s2  }
0x7: {  	s0 =	rddreg [dreg:$0x4];
	_ =	strace $0x80000047  }
0x8: {  	s3 =	sadd.s32 $0x600, s3;
	s20 =	simm.s32 $0x2  }
0x9: {  	[tilespmem:s2], [sflag:$0x2] =	stream.linear.gather [hbm4b:s3+s2], $0x80, $0x38;
	[tilespmem:$0x2100] =	vst v63  }
0xa: {  	_ =	swait.ge [sflag:s20], $0x80  }
0xb: {  	[sflag:s20] =	ssyncset.done $0x0  }
0xc: {  	[sflag:s20] =	ssyncadd.s32 $0xFFFFFF80  }
0xd: {  	v0 =	vld [tilespmem:$0x0];
	_ =	sdelay $0x4  }
0xe: {  	(v2sf) =	vpush v0, $0x0;
	_ =	sdelay $0x1  }
0xf: {  	(v2sf) =	vpush v0, $0x1;
	_ =	sdelay $0xc  }
0x10: {  	s6 =	spop (v2sf)  }
0x11: {  	s7 =	sshra.s32 s6, $0x1F  }
0x12: {  	s8 =	spop (v2sf);
	s7 =	sshrl.u32 s7, $0x19  }
0x13: {  	s10 =	sshra.s32 s8, $0x1F;
	s7 =	sadd.s32 s7, s6  }
0x14: {  	s11 =	simm.s32 $0x1;
	s10 =	sshrl.u32 s10, $0x19;
	s9 =	sand.u32 $0xFFFFFF80, s7  }
0x15: {  	p1 =	slt.s32 s6, $0x1;
	s21 =	sadd.s32 s10, s8;
	p2 =	sne.s32 s6, s9  }
0x16: {  	s22 =	simm.s32 $0x400;
	s10 =	sand.u32 $0xFFFFFF80, s21;
	p1 =	por !p1, !p2  }
0x17: {  	p5 =	slt.s32 s8, $0x1;
	p6 =	sne.s32 s8, s10;
	p1 =	por !p1, !p1  }
0x18: {  	s7 =	sshrl.u32 s7, $0x7;
	s11 =	simm.s32 @!p1 $0x0;
	p1 =	por !p5, !p6  }
0x19: {  	s10 =	simm.s32 $0x1;
	s7 =	ssub.s32 s7, s11;
	p1 =	por !p1, !p1  }
0x1a: {  	s9 =	sshrl.u32 s21, $0x7;
	s7 =	sshll.u32 s7, $0x7;
	s10 =	simm.s32 @!p1 $0x0  }
0x1b: {  	s23 =	simm.s32 $0x7A1400;
	s7 =	sand.u32 $0x1FFFFF80, s7;
	s9 =	ssub.s32 s9, s10  }
0x1c: {  	s24 =	simm.s32 $0x80;
	s5 =	sadd.s32 s5, s7;
	s25 =	sshll.u32 s9, $0x7  }
0x1d: {  	[tilespmem:s24], [sflag:$0x1] =	stream.strided.gather [hbm4b:s5+s22], $0x1000, s23, s22, $0x38;
	[tilespmem:$0x2100] =	vst v63  }
0x1e: {  	s5 =	sand.u32 $0x1FFFFF80, s25  }
0x1f: {  	s26 =	simm.s32 $0x1;
	s28 =	simm.s32 $0x1080;
	v62 =	vlaneseq.u32;
	s4 =	sadd.s32 s4, s5  }
0x20: {  	v0 =	vmul.u32 $0x80, v62;
	[tilespmem:s28], [sflag:$0x1] =	stream.strided.gather [hbm4b:s4+s22], $0x1000, s23, s22, $0x38;
	[tilespmem:$0x2100] =	vst v63  }
0x21: {  	s29 =	sand.u32 $0x7F, s6;
	_ =	swait.ge [sflag:s26], $0x1000  }
0x22: {  	v2 =	vor.u32 $0x800, v0;
	v1 =	vor.u32 s29, v0;
	[sflag:s26] =	ssyncset.done $0x0  }
0x23: {  	s30 =	sand.u32 $0x7F, s8;
	v3 =	vor.u32 s29, v2;
	[sflag:s26] =	ssyncadd.s32 $0xFFFFF000  }
0x24: {  	v0 =	vor.u32 s30, v0;
	_ =	swait.ge [sflag:s26], $0x1000  }
0x25: {  	v2 =	vor.u32 s30, v2;
	[sflag:s26] =	ssyncset.done $0x0  }
0x26: {  	[sflag:s26] =	ssyncadd.s32 $0xFFFFF000  }
0x27: {  	v1 =	vld.idx.msk [tilespmem:v1+s24+$0x0], $0xffff  }
0x28: {  	v3 =	vld.idx.msk [tilespmem:v3+s24+$0x0], $0xffff  }
0x29: {  	v0 =	vld.idx.msk [tilespmem:v0+s28+$0x0], $0xffff  }
0x2a: {  	v2 =	vld.idx.msk [tilespmem:v2+s28+$0x0], $0xffff;
	_ =	sdelay $0x4  }
0x2b: {  	v0 =	vmul.f32 v0, v1;
	v63 =	vmul.f32 v2, v3;
	_ =	sdelay $0x1  }
0x2c: {  	v0 =	vadd.f32 v63, v0;
	_ =	sdelay $0x1  }
0x2d: {  	(xrf2) =	vadd.scan.msk.f32 $0xffff, v0;
	_ =	sdelay $0x9  }
0x2e: {  	v0, _, _ =	vpop (xrf2)  }
0x2f: {  	v0 =	vbroadcast v0, $0xF;
	_ =	sdelay $0x1  }
0x30: {  	s31 =	simm.s32 $0x2080;
	[tilespmem:$0x2080] =	vst v0  }
0x31: {  	[hbm4b:s1+s2] =	stream.linear.scatter [tilespmem:s31], [sflag:$0x2], $0x80, $0x38;
	[tilespmem:$0x2100] =	vst v63  }
0x32: {  	_ =	swait.ge [sflag:s20], $0x80  }
0x33: {  	[sflag:s20] =	ssyncset.done $0x0  }
0x34: {  	[sflag:s20] =	ssyncadd.s32 $0xFFFFFF80  }
.LBB2_2:
0x35: {  	_ =	sfence.sel $0x180000  }
0x36: {  	[bflag:$0x0] =	sbarrier.arrive $0xFFFF  }
0x37: {  	_ =	strace $0x90000047  }
0x38: {  	s0 =	sadd.s32 @!p0 $0x100000, s0;
	[bflag:$0x2] =	sbarrier.arrive $0xFFFF  }
0x39: {  	[sflag:s0] =	ssyncadd.tile.s32 @!p0 $0x1;
	_ =	shalt  }
.Lfunc_end2:
_tile_overlayer_lowered:
.L_overlay_start_2:
0x3a: {  	(tag) =	ssettag $0x2  }
0x3b: {  	s0 =	rddreg [dreg:$0x0];
	s2 =	stileid.u32  }
0x3c: {  	s1 =	rddreg [dreg:$0x1];
	p0 =	sne.s32 s2, $0x0  }
0x3d: {  	s3 =	rddreg [dreg:$0x2];
	[bflag:$0x3] =	sbarrier.arrive $0xFFFF;
	s2 =	simm.s32 @!p0 $0x1C02  }
0x3e: {  	[timem:s3], [sflag:s2] =	dma.local @!p0 [hbm:s0], s1  }
0x3f: {  	s0 =	simm.s32 @!p0 $0x2  }
0x40: {  	_ =	swait.ge @!p0 [sflag:s0], s1  }
0x41: {  	s1 =	ssub.s32 @!p0 $0x0, s1;
	[sflag:s0] =	ssyncset.done @!p0 $0x0  }
0x42: {  	[sflag:s0] =	ssyncadd.s32 @!p0 s1  }
0x43: {  	[bflag:$0x3] =	sbarrier.arrive $0xFFFF  }
0x44: {  	_ =	shalt  }

</sc_bundles>
